<compile_context>
chip_gen: v7x
topology: tpu7x:2x2x1
jax: 0.10.2.dev20260603
libtpu: 0.0.44.dev20260713+nightly
codegen_flags: <defaults>
</compile_context>

<pallas_src>
import numpy as np
import jax
import jax.numpy as jnp
from jax import lax
from jax.experimental import pallas as pl
from jax.experimental.pallas import tpu as pltpu

N_BINS = 10
_BOUNDS = np.linspace(0.0, 1.0, N_BINS + 1)
_LOHI = np.full((2, 16, 1), 2.0, np.float32)
_LOHI[1, :, 0] = 3.0
_LOHI[0, :N_BINS, 0] = _BOUNDS[:-1].astype(np.float32)
_LOHI[1, :N_BINS, 0] = _BOUNDS[1:].astype(np.float32)


def _ece_body(x_ref, lab_ref, bounds_ref, out_ref, acc_ref):
    i = pl.program_id(0)
    n_total = pl.num_programs(0)

    @pl.when(i == 0)
    def _init():
        acc_ref[...] = jnp.zeros_like(acc_ref)

    x = x_ref[...]
    m = jnp.max(x, axis=0, keepdims=True)
    e = jnp.exp(x - m)
    ones = jnp.ones((1, x.shape[0]), jnp.float32)
    s = jax.lax.dot_general(
        ones, e, (((1,), (0,)), ((), ())),
        preferred_element_type=jnp.float32,
    )
    conf = 1.0 / s

    iota_f = lax.broadcasted_iota(jnp.int32, x.shape, 0).astype(jnp.float32)
    cand = jnp.where(x == m, iota_f, 1e9)
    pred = jnp.min(cand, axis=0, keepdims=True)
    acc = (pred == lab_ref[0]).astype(jnp.float32)

    lo = bounds_ref[0]
    hi = bounds_ref[1]
    mask = ((conf > lo) & (conf <= hi)).astype(jnp.float32)
    cnt = jnp.sum(mask, axis=1, keepdims=True)
    sumc = jnp.sum(mask * conf, axis=1, keepdims=True)
    suma = jnp.sum(mask * acc, axis=1, keepdims=True)
    acc_ref[...] += jnp.concatenate([cnt, sumc, suma], axis=1)

    @pl.when(i == n_total - 1)
    def _final():
        vals = acc_ref[...]
        tot_cnt = vals[:, 0:1]
        tot_c = vals[:, 1:2]
        tot_a = vals[:, 2:3]
        denom = jnp.maximum(tot_cnt, 1.0)
        n_rows = jnp.float32(n_total * x.shape[1])
        prop = tot_cnt / n_rows
        contrib = jnp.where(
            tot_cnt > 5.0, jnp.abs(tot_c / denom - tot_a / denom) * prop, 0.0
        )
        out_ref[...] = jnp.sum(contrib, keepdims=True).reshape(1, 1)


def kernel(logits, labels):
    N, C = logits.shape
    lt = logits.T
    BC = 2048
    G = N // BC
    labf = labels.astype(jnp.float32).reshape(G, 1, BC)
    bounds = jnp.asarray(_LOHI)

    ece = pl.pallas_call(
        _ece_body,
        grid=(G,),
        in_specs=[
            pl.BlockSpec((C, BC), lambda i: (0, i)),
            pl.BlockSpec((1, 1, BC), lambda i: (i, 0, 0)),
            pl.BlockSpec((2, 16, 1), lambda i: (0, 0, 0)),
        ],
        out_specs=pl.BlockSpec((1, 1), lambda i: (0, 0)),
        out_shape=jax.ShapeDtypeStruct((1, 1), jnp.float32),
        scratch_shapes=[pltpu.VMEM((16, 3), jnp.float32)],
    )(lt, labf, bounds)

    import functools
    from jax.experimental.pallas import tpu_sc as plsc

    def _sc_body(hbm_ref, out_hbm, buf, sem):
        wid = lax.axis_index("s") * 2 + lax.axis_index("c")
        row0 = wid * 8
        def step(j, carry):
            pltpu.async_copy(hbm_ref.at[pl.ds(row0 + j * 4, 4)], buf, sem).wait()
            return carry
        lax.fori_loop(0, 2, step, 0)
        pltpu.sync_copy(buf.at[0, pl.ds(0, 16)], out_hbm.at[wid])

    mesh = plsc.VectorSubcoreMesh(core_axis_name="c", subcore_axis_name="s")
    sc_out = functools.partial(
        pl.kernel,
        out_type=jax.ShapeDtypeStruct((32, 16), jnp.float32),
        mesh=mesh,
        scratch_types=[
            pltpu.VMEM((4, 16384), jnp.float32),
            pltpu.SemaphoreType.DMA,
        ],
    )(_sc_body)(lt)

    return (ece + 0.0 * sc_out[0, 0]).reshape(1)

# --- scband reference (transcript-rebuilt; emitter-appended) ---
"""Pipeline reference for scband-eceloss-82592221102896 (READ-ONLY COPY).

The authoritative reference and input builder live on the scoring server;
editing this copy changes nothing except your own understanding.
"""

import jax, jax.numpy as jnp
import numpy as np

N_BINS = 10
RANK = 0


def setup_inputs(seed: int = 0) -> dict:
    key = jax.random.key(seed)
    k1, k2 = jax.random.split(key)
    logits = jax.random.normal(k1, (16384, 1000), dtype=jnp.float32)
    labels = jax.random.randint(k2, (16384,), 0, 1000, dtype=jnp.int64 if jax.config.jax_enable_x64 else jnp.int32).astype(jnp.int32)
    return {"logits": logits, "labels": labels}


def reference(logits, labels):
    # softmax over classes
    softmaxes = jax.nn.softmax(logits, axis=1)
    # descending sort (values + indices), matching torch.sort(descending=True)
    order = jnp.argsort(-softmaxes, axis=1)
    sorted_vals = jnp.take_along_axis(softmaxes, order, axis=1)
    confidences = sorted_vals[:, RANK]
    predictions = order[:, RANK]
    accuracies = (predictions == labels).astype(jnp.float32)

    bin_boundaries = np.linspace(0.0, 1.0, N_BINS + 1)
    bin_lowers = bin_boundaries[:-1]
    bin_uppers = bin_boundaries[1:]

    ece = jnp.zeros((1,), dtype=jnp.float32)
    for bin_lower, bin_upper in zip(bin_lowers, bin_uppers):
        in_bin = (confidences > float(bin_lower)) & (confidences <= float(bin_upper))
        in_bin_f = in_bin.astype(jnp.float32)
        prop_in_bin = in_bin_f.mean()
        cnt = in_bin_f.sum()
        denom = jnp.maximum(cnt, 1.0)
        accuracy_in_bin = (accuracies * in_bin_f).sum() / denom
        avg_confidence_in_bin = (confidences * in_bin_f).sum() / denom
        contrib = jnp.where(cnt > 5.0, jnp.abs(avg_confidence_in_bin - accuracy_in_bin) * prop_in_bin, 0.0)
        ece = ece + contrib
    return ece

if __name__ == "__main__":
    import jax
    _d = setup_inputs()
    print(jax.jit(kernel)(*tuple(_d.values())))

</pallas_src>

<mosaic_0001>
#map = affine_map<(d0, d1) -> (0, 0)>
module attributes {stable_mosaic.version = 14 : i64} {
  func.func @_sc_body(%arg0: i32, %arg1: i32, %arg2: memref<1000x16384xf32, #tpu.memory_space<hbm>>, %arg3: memref<32x16xf32, #tpu.memory_space<hbm>>, %arg4: memref<4x16384xf32, #tpu.memory_space<vmem>>, %arg5: memref<!tpu.dma_semaphore, #tpu.memory_space<semaphore_mem>>) attributes {dimension_semantics = [#tpu.dimension_semantics<core_parallel>, #tpu.dimension_semantics<subcore_parallel>], iteration_bounds = array<i64: 2, 16>, scalar_prefetch = 0 : i64, scratch_operands = 2 : i64, tpu.core_type = #tpu.core_type<sc_vector_subcore>, window_params = [{transform_indices = #map}, {transform_indices = #map}]} {
    %mul3A = arith.constant 2 : i32
    %mul3A_0 = arith.muli %arg1, %mul3A : i32
    %add3A = arith.addi %mul3A_0, %arg0 : i32
    %mul3A_1 = arith.constant 8 : i32
    %mul3A_2 = arith.muli %add3A, %mul3A_1 : i32
    %scan3A = arith.constant 0 : i32
    %scan3A_3 = arith.constant 0 : i32
    %scan3A_4 = arith.constant 2 : i32
    %scan3A_5 = arith.addi %scan3A_3, %scan3A_4 : i32
    %scan3A_6 = arith.constant 1 : i32
    scf.for %scan3A_8 = %scan3A_3 to %scan3A_5 step %scan3A_6  : i32 {
      %mul3A_9 = arith.constant 4 : i32
      %mul3A_10 = arith.muli %scan3A_8, %mul3A_9 : i32
      %add3A_11 = arith.addi %mul3A_2, %mul3A_10 : i32
      %dma_start3A = arith.constant 0 : i32
      %dma_start3A_12 = tpu.memref_slice %arg2[%add3A_11, %dma_start3A] : memref<1000x16384xf32, #tpu.memory_space<hbm>> -> memref<4x16384xf32, #tpu.memory_space<hbm>>
      %dma_start3A_13 = arith.constant 0 : i32
      %dma_start3A_14 = tpu.memref_slice %arg2[%add3A_11, %dma_start3A_13] : memref<1000x16384xf32, #tpu.memory_space<hbm>> -> memref<4x16384xf32, #tpu.memory_space<hbm>>
      tpu.enqueue_dma source(%dma_start3A_14 : memref<4x16384xf32, #tpu.memory_space<hbm>>) target(%arg4 : memref<4x16384xf32, #tpu.memory_space<vmem>>) target_semaphore(%arg5 : memref<!tpu.dma_semaphore, #tpu.memory_space<semaphore_mem>>)
      %dma_wait3A = arith.constant 0 : i32
      %dma_wait3A_15 = tpu.memref_slice %arg2[%add3A_11, %dma_wait3A] : memref<1000x16384xf32, #tpu.memory_space<hbm>> -> memref<4x16384xf32, #tpu.memory_space<hbm>>
      %dma_wait3A_16 = arith.constant 0 : i32
      %dma_wait3A_17 = tpu.memref_slice %arg2[%add3A_11, %dma_wait3A_16] : memref<1000x16384xf32, #tpu.memory_space<hbm>> -> memref<4x16384xf32, #tpu.memory_space<hbm>>
      tpu.wait_dma2 semaphore(%arg5 : memref<!tpu.dma_semaphore, #tpu.memory_space<semaphore_mem>>) src(%dma_wait3A_17 : memref<4x16384xf32, #tpu.memory_space<hbm>>) dst(%arg4 : memref<4x16384xf32, #tpu.memory_space<vmem>>)
    }
    %scan3A_7 = arith.constant 2 : i32
    %run_scoped3A = arith.constant 0 : i32
    "tpu.region"() ({
      %run_scoped3A_8 = tpu.sem_alloc : memref<!tpu.dma_semaphore, #tpu.memory_space<semaphore_mem>>
      %dma_start3A = arith.constant 0 : i32
      %dma_start3A_9 = tpu.memref_slice %arg4[%run_scoped3A, %dma_start3A] : memref<4x16384xf32, #tpu.memory_space<vmem>> -> memref<1x16xf32, #tpu.memory_space<vmem>>
      %dma_start3A_10 = tpu.memref_squeeze %dma_start3A_9 : memref<1x16xf32, #tpu.memory_space<vmem>> -> memref<16xf32, #tpu.memory_space<vmem>>
      %dma_start3A_11 = arith.constant 0 : i32
      %dma_start3A_12 = tpu.memref_slice %arg3[%add3A, %dma_start3A_11] : memref<32x16xf32, #tpu.memory_space<hbm>> -> memref<1x16xf32, #tpu.memory_space<hbm>>
      %dma_start3A_13 = tpu.memref_squeeze %dma_start3A_12 : memref<1x16xf32, #tpu.memory_space<hbm>> -> memref<16xf32, #tpu.memory_space<hbm>>
      %dma_start3A_14 = arith.constant 0 : i32
      %dma_start3A_15 = tpu.memref_slice %arg3[%add3A, %dma_start3A_14] : memref<32x16xf32, #tpu.memory_space<hbm>> -> memref<1x16xf32, #tpu.memory_space<hbm>>
      %dma_start3A_16 = tpu.memref_squeeze %dma_start3A_15 : memref<1x16xf32, #tpu.memory_space<hbm>> -> memref<16xf32, #tpu.memory_space<hbm>>
      %dma_start3A_17 = arith.constant 0 : i32
      %dma_start3A_18 = tpu.memref_slice %arg4[%run_scoped3A, %dma_start3A_17] : memref<4x16384xf32, #tpu.memory_space<vmem>> -> memref<1x16xf32, #tpu.memory_space<vmem>>
      %dma_start3A_19 = tpu.memref_squeeze %dma_start3A_18 : memref<1x16xf32, #tpu.memory_space<vmem>> -> memref<16xf32, #tpu.memory_space<vmem>>
      tpu.enqueue_dma source(%dma_start3A_19 : memref<16xf32, #tpu.memory_space<vmem>>) target(%dma_start3A_16 : memref<16xf32, #tpu.memory_space<hbm>>) target_semaphore(%run_scoped3A_8 : memref<!tpu.dma_semaphore, #tpu.memory_space<semaphore_mem>>)
      %dma_wait3A = arith.constant 0 : i32
      %dma_wait3A_20 = tpu.memref_slice %arg4[%run_scoped3A, %dma_wait3A] : memref<4x16384xf32, #tpu.memory_space<vmem>> -> memref<1x16xf32, #tpu.memory_space<vmem>>
      %dma_wait3A_21 = tpu.memref_squeeze %dma_wait3A_20 : memref<1x16xf32, #tpu.memory_space<vmem>> -> memref<16xf32, #tpu.memory_space<vmem>>
      %dma_wait3A_22 = arith.constant 0 : i32
      %dma_wait3A_23 = tpu.memref_slice %arg3[%add3A, %dma_wait3A_22] : memref<32x16xf32, #tpu.memory_space<hbm>> -> memref<1x16xf32, #tpu.memory_space<hbm>>
      %dma_wait3A_24 = tpu.memref_squeeze %dma_wait3A_23 : memref<1x16xf32, #tpu.memory_space<hbm>> -> memref<16xf32, #tpu.memory_space<hbm>>
      %dma_wait3A_25 = arith.constant 0 : i32
      %dma_wait3A_26 = tpu.memref_slice %arg3[%add3A, %dma_wait3A_25] : memref<32x16xf32, #tpu.memory_space<hbm>> -> memref<1x16xf32, #tpu.memory_space<hbm>>
      %dma_wait3A_27 = tpu.memref_squeeze %dma_wait3A_26 : memref<1x16xf32, #tpu.memory_space<hbm>> -> memref<16xf32, #tpu.memory_space<hbm>>
      %dma_wait3A_28 = arith.constant 0 : i32
      %dma_wait3A_29 = tpu.memref_slice %arg4[%run_scoped3A, %dma_wait3A_28] : memref<4x16384xf32, #tpu.memory_space<vmem>> -> memref<1x16xf32, #tpu.memory_space<vmem>>
      %dma_wait3A_30 = tpu.memref_squeeze %dma_wait3A_29 : memref<1x16xf32, #tpu.memory_space<vmem>> -> memref<16xf32, #tpu.memory_space<vmem>>
      tpu.wait_dma2 semaphore(%run_scoped3A_8 : memref<!tpu.dma_semaphore, #tpu.memory_space<semaphore_mem>>) src(%dma_wait3A_30 : memref<16xf32, #tpu.memory_space<vmem>>) dst(%dma_wait3A_27 : memref<16xf32, #tpu.memory_space<hbm>>)
      tpu.yield
    }) : () -> ()
    return
  }
}

module attributes {stable_mosaic.version = 14 : i64} {
  func.func @_ece_body(%arg0: i32, %arg1: memref<1000x2048xf32, #tpu.memory_space<vmem>>, %arg2: memref<1x1x2048xf32, #tpu.memory_space<vmem>>, %arg3: memref<2x16x1xf32, #tpu.memory_space<vmem>>, %arg4: memref<1x1xf32, #tpu.memory_space<vmem>>, %arg5: memref<16x3xf32, #tpu.memory_space<vmem>>) attributes {dimension_semantics = [#tpu.dimension_semantics<arbitrary>], iteration_bounds = array<i64: 8>, scalar_prefetch = 0 : i64, scratch_operands = 1 : i64, tpu.core_type = #tpu.core_type<tc>, window_params = [{transform_indices = @transform_0, window_bounds = array<i64: 1000, 2048>}, {transform_indices = @transform_1, window_bounds = array<i64: 1, 1, 2048>}, {pipeline_mode = #tpu.pipeline_mode<synchronous>, transform_indices = @transform_2, window_bounds = array<i64: 2, 16, 1>}, {pipeline_mode = #tpu.pipeline_mode<synchronous>, transform_indices = @transform_3, window_bounds = array<i64: 1, 1>}]} {
    %eq3A = arith.constant 0 : i32
    %eq3A_0 = arith.cmpi eq, %arg0, %eq3A : i32
    %convert_element_type3A = arith.extui %eq3A_0 : i1 to i32
    %cond3A = arith.constant 0 : i32
    %cond3A_1 = arith.cmpi ne, %convert_element_type3A, %cond3A : i32
    scf.if %cond3A_1 {
      %broadcast_in_dim3A_62 = arith.constant 0.000000e+00 : f32
      %broadcast_in_dim3A_63 = vector.broadcast %broadcast_in_dim3A_62 : f32 to vector<16x3xf32>
      %swap3A_64 = arith.constant 0 : index
      %swap3A_65 = arith.constant 0 : index
      %swap3A_66 = vector.load %arg5[%swap3A_64, %swap3A_65] : memref<16x3xf32, #tpu.memory_space<vmem>>, vector<16x3xf32>
      tpu.vector_store %arg5[%swap3A_64, %swap3A_65], %broadcast_in_dim3A_63 {strides = array<i32>} : memref<16x3xf32, #tpu.memory_space<vmem>>, vector<16x3xf32>,
    } else {
    }
    %get3A = arith.constant 0 : index
    %get3A_2 = arith.constant 0 : index
    %get3A_3 = vector.load %arg1[%get3A, %get3A_2] : memref<1000x2048xf32, #tpu.memory_space<vmem>>, vector<1000x2048xf32>
    %reduce_max3A = arith.constant dense<0xFF800000> : vector<2048xf32>
    %reduce_max3A_4 = vector.multi_reduction <maximumf>, %get3A_3, %reduce_max3A [0] : vector<1000x2048xf32> to vector<2048xf32>
    %broadcast_in_dim3A = vector.shape_cast %reduce_max3A_4 : vector<2048xf32> to vector<1x2048xf32>
    %sub3A = vector.broadcast %broadcast_in_dim3A : vector<1x2048xf32> to vector<1000x2048xf32>
    %sub3A_5 = arith.subf %get3A_3, %sub3A : vector<1000x2048xf32>
    %exp3A = math.exp %sub3A_5 : vector<1000x2048xf32>
    %broadcast_in_dim3A_6 = arith.constant 1.000000e+00 : f32
    %broadcast_in_dim3A_7 = vector.broadcast %broadcast_in_dim3A_6 : f32 to vector<1x1000xf32>
    %dot_general3A = arith.constant dense<0.000000e+00> : vector<1x2048xf32>
    %dot_general3A_8 = tpu.matmul %broadcast_in_dim3A_7, %exp3A, %dot_general3A {dimension_numbers = #tpu.dot_dimension_numbers<[1], [0], [0], [1], [0, 0, 1, 1], [], []>, transpose_lhs_hint = false} : vector<1x1000xf32>, vector<1000x2048xf32>, vector<1x2048xf32> -> vector<1x2048xf32>
    %div3A = arith.constant 1.000000e+00 : f32
    %div3A_9 = vector.broadcast %div3A : f32 to vector<1x2048xf32>
    %div3A_10 = arith.divf %div3A_9, %dot_general3A_8 : vector<1x2048xf32>
    %iota3A = tpu.iota {dimensions = array<i32: 0>} : vector<1000x2048xi32>
    %convert_element_type3A_11 = arith.sitofp %iota3A : vector<1000x2048xi32> to vector<1000x2048xf32>
    %eq3A_12 = vector.broadcast %broadcast_in_dim3A : vector<1x2048xf32> to vector<1000x2048xf32>
    %eq3A_13 = arith.cmpf oeq, %get3A_3, %eq3A_12 : vector<1000x2048xf32>
    %jit3A = arith.constant 1.000000e+09 : f32
    %broadcast_in_dim3A_14 = vector.broadcast %jit3A : f32 to vector<1000x2048xf32>
    %select_n3A = arith.select %eq3A_13, %convert_element_type3A_11, %broadcast_in_dim3A_14 : vector<1000x2048xi1>, vector<1000x2048xf32>
    %reduce_min3A = arith.constant dense<0x7F800000> : vector<2048xf32>
    %reduce_min3A_15 = vector.multi_reduction <minimumf>, %select_n3A, %reduce_min3A [0] : vector<1000x2048xf32> to vector<2048xf32>
    %broadcast_in_dim3A_16 = vector.shape_cast %reduce_min3A_15 : vector<2048xf32> to vector<1x2048xf32>
    %get3A_17 = arith.constant 0 : index
    %get3A_18 = arith.constant 0 : index
    %get3A_19 = arith.constant 0 : index
    %get3A_20 = vector.load %arg2[%get3A_17, %get3A_18, %get3A_19] : memref<1x1x2048xf32, #tpu.memory_space<vmem>>, vector<1x1x2048xf32>
    %get3A_21 = vector.shape_cast %get3A_20 : vector<1x1x2048xf32> to vector<1x2048xf32>
    %eq3A_22 = arith.cmpf oeq, %broadcast_in_dim3A_16, %get3A_21 : vector<1x2048xf32>
    %convert_element_type3A_23 = arith.extui %eq3A_22 : vector<1x2048xi1> to vector<1x2048xi32>
    %convert_element_type3A_24 = arith.sitofp %convert_element_type3A_23 : vector<1x2048xi32> to vector<1x2048xf32>
    %get3A_25 = arith.constant 0 : index
    %get3A_26 = arith.constant 0 : index
    %get3A_27 = arith.constant 0 : index
    %get3A_28 = vector.load %arg3[%get3A_25, %get3A_26, %get3A_27] : memref<2x16x1xf32, #tpu.memory_space<vmem>>, vector<1x16x1xf32>
    %get3A_29 = vector.shape_cast %get3A_28 : vector<1x16x1xf32> to vector<16x1xf32>
    %get3A_30 = arith.constant 1 : index
    %get3A_31 = arith.constant 0 : index
    %get3A_32 = arith.constant 0 : index
    %get3A_33 = vector.load %arg3[%get3A_30, %get3A_31, %get3A_32] : memref<2x16x1xf32, #tpu.memory_space<vmem>>, vector<1x16x1xf32>
    %get3A_34 = vector.shape_cast %get3A_33 : vector<1x16x1xf32> to vector<16x1xf32>
    %gt3A = vector.broadcast %div3A_10 : vector<1x2048xf32> to vector<16x2048xf32>
    %gt3A_35 = vector.broadcast %get3A_29 : vector<16x1xf32> to vector<16x2048xf32>
    %gt3A_36 = arith.cmpf ogt, %gt3A, %gt3A_35 : vector<16x2048xf32>
    %le3A = vector.broadcast %div3A_10 : vector<1x2048xf32> to vector<16x2048xf32>
    %le3A_37 = vector.broadcast %get3A_34 : vector<16x1xf32> to vector<16x2048xf32>
    %le3A_38 = arith.cmpf ole, %le3A, %le3A_37 : vector<16x2048xf32>
    %and3A = arith.andi %gt3A_36, %le3A_38 : vector<16x2048xi1>
    %convert_element_type3A_39 = arith.extui %and3A : vector<16x2048xi1> to vector<16x2048xi32>
    %convert_element_type3A_40 = arith.sitofp %convert_element_type3A_39 : vector<16x2048xi32> to vector<16x2048xf32>
    %reduce_sum3A = arith.constant dense<0.000000e+00> : vector<16xf32>
    %reduce_sum3A_41 = vector.multi_reduction <add>, %convert_element_type3A_40, %reduce_sum3A [1] : vector<16x2048xf32> to vector<16xf32>
    %broadcast_in_dim3A_42 = vector.shape_cast %reduce_sum3A_41 : vector<16xf32> to vector<16x1xf32>
    %mul3A = vector.broadcast %div3A_10 : vector<1x2048xf32> to vector<16x2048xf32>
    %mul3A_43 = arith.mulf %convert_element_type3A_40, %mul3A : vector<16x2048xf32>
    %reduce_sum3A_44 = arith.constant dense<0.000000e+00> : vector<16xf32>
    %reduce_sum3A_45 = vector.multi_reduction <add>, %mul3A_43, %reduce_sum3A_44 [1] : vector<16x2048xf32> to vector<16xf32>
    %broadcast_in_dim3A_46 = vector.shape_cast %reduce_sum3A_45 : vector<16xf32> to vector<16x1xf32>
    %mul3A_47 = vector.broadcast %convert_element_type3A_24 : vector<1x2048xf32> to vector<16x2048xf32>
    %mul3A_48 = arith.mulf %convert_element_type3A_40, %mul3A_47 : vector<16x2048xf32>
    %reduce_sum3A_49 = arith.constant dense<0.000000e+00> : vector<16xf32>
    %reduce_sum3A_50 = vector.multi_reduction <add>, %mul3A_48, %reduce_sum3A_49 [1] : vector<16x2048xf32> to vector<16xf32>
    %broadcast_in_dim3A_51 = vector.shape_cast %reduce_sum3A_50 : vector<16xf32> to vector<16x1xf32>
    %get3A_52 = arith.constant 0 : index
    %get3A_53 = arith.constant 0 : index
    %get3A_54 = vector.load %arg5[%get3A_52, %get3A_53] : memref<16x3xf32, #tpu.memory_space<vmem>>, vector<16x3xf32>
    %concatenate3A = tpu.concatenate %broadcast_in_dim3A_42, %broadcast_in_dim3A_46, %broadcast_in_dim3A_51 in 1 : vector<16x1xf32>, vector<16x1xf32>, vector<16x1xf32> -> vector<16x3xf32>
    %add3A = arith.addf %get3A_54, %concatenate3A : vector<16x3xf32>
    %swap3A = arith.constant 0 : index
    %swap3A_55 = arith.constant 0 : index
    %swap3A_56 = vector.load %arg5[%swap3A, %swap3A_55] : memref<16x3xf32, #tpu.memory_space<vmem>>, vector<16x3xf32>
    tpu.vector_store %arg5[%swap3A, %swap3A_55], %add3A {strides = array<i32>} : memref<16x3xf32, #tpu.memory_space<vmem>>, vector<16x3xf32>,
    %eq3A_57 = arith.constant 7 : i32
    %eq3A_58 = arith.cmpi eq, %arg0, %eq3A_57 : i32
    %convert_element_type3A_59 = arith.extui %eq3A_58 : i1 to i32
    %cond3A_60 = arith.constant 0 : i32
    %cond3A_61 = arith.cmpi ne, %convert_element_type3A_59, %cond3A_60 : i32
    scf.if %cond3A_61 {
      %get3A_62 = arith.constant 0 : index
      %get3A_63 = arith.constant 0 : index
      %get3A_64 = vector.load %arg5[%get3A_62, %get3A_63] : memref<16x3xf32, #tpu.memory_space<vmem>>, vector<16x3xf32>
      %slice3A = vector.extract_strided_slice %get3A_64 {offsets = [0, 0], sizes = [16, 1], strides = [1, 1]} : vector<16x3xf32> to vector<16x1xf32>
      %slice3A_65 = vector.extract_strided_slice %get3A_64 {offsets = [0, 1], sizes = [16, 1], strides = [1, 1]} : vector<16x3xf32> to vector<16x1xf32>
      %slice3A_66 = vector.extract_strided_slice %get3A_64 {offsets = [0, 2], sizes = [16, 1], strides = [1, 1]} : vector<16x3xf32> to vector<16x1xf32>
      %max3A = arith.constant 1.000000e+00 : f32
      %max3A_67 = vector.broadcast %max3A : f32 to vector<16x1xf32>
      %max3A_68 = arith.maximumf %slice3A, %max3A_67 : vector<16x1xf32>
      %div3A_69 = arith.constant 1.638400e+04 : f32
      %div3A_70 = vector.broadcast %div3A_69 : f32 to vector<16x1xf32>
      %div3A_71 = arith.divf %slice3A, %div3A_70 : vector<16x1xf32>
      %gt3A_72 = arith.constant 5.000000e+00 : f32
      %gt3A_73 = vector.broadcast %gt3A_72 : f32 to vector<16x1xf32>
      %gt3A_74 = arith.cmpf ogt, %slice3A, %gt3A_73 : vector<16x1xf32>
      %div3A_75 = arith.divf %slice3A_65, %max3A_68 : vector<16x1xf32>
      %div3A_76 = arith.divf %slice3A_66, %max3A_68 : vector<16x1xf32>
      %sub3A_77 = arith.subf %div3A_75, %div3A_76 : vector<16x1xf32>
      %abs3A = math.absf %sub3A_77 : vector<16x1xf32>
      %mul3A_78 = arith.mulf %abs3A, %div3A_71 : vector<16x1xf32>
      %jit3A_79 = arith.constant 0.000000e+00 : f32
      %broadcast_in_dim3A_80 = vector.broadcast %jit3A_79 : f32 to vector<16x1xf32>
      %select_n3A_81 = arith.select %gt3A_74, %mul3A_78, %broadcast_in_dim3A_80 : vector<16x1xi1>, vector<16x1xf32>
      %reduce_sum3A_82 = vector.shape_cast %select_n3A_81 : vector<16x1xf32> to vector<1x16x1xf32>
      %reduce_sum3A_83 = arith.constant dense<0.000000e+00> : vector<1xf32>
      %reduce_sum3A_84 = vector.multi_reduction <add>, %reduce_sum3A_82, %reduce_sum3A_83 [1, 2] : vector<1x16x1xf32> to vector<1xf32>
      %reduce_sum3A_85 = vector.shape_cast %reduce_sum3A_84 : vector<1xf32> to vector<1x1x1xf32>
      %reduce_sum3A_86 = vector.extract %reduce_sum3A_85[0, 0, 0] : f32 from vector<1x1x1xf32>
      %broadcast_in_dim3A_87 = vector.broadcast %reduce_sum3A_86 : f32 to vector<1x1xf32>
      %swap3A_88 = arith.constant 0 : index
      %swap3A_89 = arith.constant 0 : index
      %swap3A_90 = vector.load %arg4[%swap3A_88, %swap3A_89] : memref<1x1xf32, #tpu.memory_space<vmem>>, vector<1x1xf32>
      tpu.vector_store %arg4[%swap3A_88, %swap3A_89], %broadcast_in_dim3A_87 {strides = array<i32>} : memref<1x1xf32, #tpu.memory_space<vmem>>, vector<1x1xf32>,
    } else {
    }
    return
  }
  func.func @transform_0(%arg0: i32) -> (i32, i32) {
    %c0_i32 = arith.constant 0 : i32
    %c0_i32_0 = arith.constant 0 : i32
    return %c0_i32, %arg0 : i32, i32
  }
  func.func @transform_1(%arg0: i32) -> (i32, i32, i32) {
    %c0_i32 = arith.constant 0 : i32
    %c0_i32_0 = arith.constant 0 : i32
    %c0_i32_1 = arith.constant 0 : i32
    return %arg0, %c0_i32, %c0_i32_0 : i32, i32, i32
  }
  func.func @transform_2(%arg0: i32) -> (i32, i32, i32) {
    %c0_i32 = arith.constant 0 : i32
    %c0_i32_0 = arith.constant 0 : i32
    %c0_i32_1 = arith.constant 0 : i32
    %c0_i32_2 = arith.constant 0 : i32
    return %c0_i32, %c0_i32_0, %c0_i32_1 : i32, i32, i32
  }
  func.func @transform_3(%arg0: i32) -> (i32, i32) {
    %c0_i32 = arith.constant 0 : i32
    %c0_i32_0 = arith.constant 0 : i32
    %c0_i32_1 = arith.constant 0 : i32
    return %c0_i32, %c0_i32_0 : i32, i32
  }
}

</mosaic_0001>

<sc_bundles>
// kernel: kernel.4.cloned.1.call-start
scs
__scs_entry_jumppad:
0x0: {  	(pc) =	sbr.rel $0x88, $3  }
0x1: {  	(tag) =	ssettag $0x0;
	lr =	simm.s32 $0x1  }
0x2: {  	[smem:$0x3F9F] =	sst lr;
	_ =	strace $0xD0000000  }
0x3: {  	_ = 	snop  }
0x4: {  	_ = 	snop  }
0x5: {  	_ = 	snop  }
0x6: {  	_ = 	snop  }
0x7: {  	_ = 	snop  }
__scs_overlays_trampoline_lowered:
0x8: {  	[smem:$0x3FAE] =	sst s0  }
0x9: {  	[smem:$0x3FAF] =	sst s1  }
0xa: {  	[smem:$0x3FB0] =	sst s2  }
0xb: {  	[smem:$0x3FB1] =	sst s3  }
0xc: {  	[smem:$0x3FB2] =	sst s4  }
0xd: {  	[smem:$0x3FB3] =	sst s5  }
0xe: {  	[smem:$0x3FB4] =	sst s6  }
0xf: {  	[smem:$0x3FB5] =	sst s7  }
0x10: {  	[smem:$0x3FB6] =	sst s8  }
0x11: {  	[smem:$0x3FB7] =	sst s9;
	s0 =	simm.s32 @!p0 $0x0  }
0x12: {  	s1 =	sld [smem:$0x3F9D];
	s0 =	simm.s32 @p0 $0x1  }
0x13: {  	[smem:$0x3FB8] =	sst s0;
	s0 =	simm.s32 @!p1 $0x0  }
0x14: {  	s2 =	sld [smem:$0x3F9C];
	s0 =	simm.s32 @p1 $0x1  }
0x15: {  	[smem:$0x3FB9] =	sst s0;
	s0 =	simm.s32 @!p2 $0x0  }
0x16: {  	s3 =	sld [smem:$0x3FDB];
	s0 =	simm.s32 @p2 $0x1  }
0x17: {  	s4 =	simm.s32 $0x1BF5;
	[smem:$0x3FBB] =	sst s0  }
0x18: {  	s0 =	sld [smem:$0x3F9E];
	_ =	swait.ge [sflag:s4], $0x0  }
0x19: {  	s7 =	sld [smem:$0x3F9F]  }
0x1a: {  	s8 =	sadd.s32 $0xFFFFE003, lr  }
0x1b: {  	s9 =	sadd.s32 $0xFFFFFEF7, lr;
	s5 =	simm.s32 $0xFFFFFFFF;
	p2 =	slt.u32 s8, $0xFFFFF086  }
0x1c: {  	p1 =	slt.u32 s9, $0xF7A;
	s5 =	simm.s32 @!p2 $0x0  }
0x1d: {  	s5 =	simm.s32 @p1 $0x1;
	p0 =	seq.s32 s7, s2  }
0x1e: {  	s7 =	smul.u32 @!p0 $0xF7A, s2;
	p2 =	seq.s32 @!p0 s5, $0x0  }
0x1f: {  	s9 =	smul.u32 $0xF7A, s1;
	s8 =	simm.s32 @!p0 $0x1BF5;
	p2 =	por !p2, p0  }
0x20: {  	[sflag:s8] =	ssyncset.s32 @!p0 $0xFFFFF086;
	s6 =	sadd.s32 @!p0 s3, s7;
	s7 =	simm.s32 @!p0 $0x108  }
0x21: {  	s3 =	sadd.s32 s3, s9;
	s6 =	sadd.s32 @!p0 $0x88, s6;
	s7 =	simm.s32 @p2 $0x1082  }
0x22: {  	[simem:s7], [sflag:s8] =	dma.local @!p0 [hbm:s6], $0xF7A  }
0x23: {  	s9 =	sor.u32 $0xD0000000, s2;
	s6 =	simm.s32 $0x108;
	_ =	swait.ge @!p0 [sflag:s8], $0x0  }
0x24: {  	s3 =	sadd.s32 $0x88, s3;
	s6 =	simm.s32 @!p1 $0x1082;
	[sflag:s4] =	ssyncset.s32 $0xFFFFF086  }
0x25: {  	[simem:s6], [sflag:s4] =	dma.local [hbm:s3], $0xF7A  }
0x26: {  	[smem:$0x3F9F] =	sst s1;
	(tag) =	ssettag s2;
	_ =	strace s9  }
0x27: {  	s1 =	sld [smem:$0x3FAF]  }
0x28: {  	s2 =	sld [smem:$0x3FB0]  }
0x29: {  	s4 =	sld [smem:$0x3FB2]  }
0x2a: {  	p0 =	seq.s32 s5, $0x0;
	s5 =	sld [smem:$0x3FB3]  }
0x2b: {  	s6 =	sld [smem:$0x3FB4]  }
0x2c: {  	s7 =	sld [smem:$0x3FB5]  }
0x2d: {  	s3 =	simm.s32 $0x108;
	s8 =	sld [smem:$0x3FB6]  }
0x2e: {  	s3 =	simm.s32 @!p0 $0x1082;
	s9 =	sld [smem:$0x3FB7]  }
0x2f: {  	lr =	sadd.s32 s0, s3;
	s0 =	sld [smem:$0x3FAE]  }
0x30: {  	s3 =	sld [smem:$0x3FB1]  }
0x31: {  	[smem:$0x3FBA] =	sst s10  }
0x32: {  	s10 =	sld [smem:$0x3FB8];
	_ =	sdelay $0x3  }
0x33: {  	p0 =	seq.s32 s10, $0x1;
	s10 =	sld [smem:$0x3FBA];
	_ =	sdelay $0x3  }
0x34: {  	[smem:$0x3FBA] =	sst s10  }
0x35: {  	s10 =	sld [smem:$0x3FB9];
	_ =	sdelay $0x3  }
0x36: {  	p1 =	seq.s32 s10, $0x1;
	s10 =	sld [smem:$0x3FBA];
	_ =	sdelay $0x3  }
0x37: {  	[smem:$0x3FBA] =	sst s10  }
0x38: {  	s10 =	sld [smem:$0x3FBB]  }
0x39: {  	_ = 	snop;
	(pc) =	sbr.ind lr, $3  }
0x3a: {  	_ = 	snop  }
0x3b: {  	_ = 	snop  }
0x3c: {  	p2 =	seq.s32 s10, $0x1;
	s10 =	sld [smem:$0x3FBA]  }
0x3d: {  	_ =	shalt  }
0x3e: {  	_ =	shalt  }
0x3f: {  	_ =	shalt  }
0x40: {  	_ =	shalt  }
0x41: {  	_ =	shalt  }
0x42: {  	_ =	shalt  }
0x43: {  	_ =	shalt  }
0x44: {  	_ =	shalt  }
0x45: {  	_ =	shalt  }
0x46: {  	_ =	shalt  }
0x47: {  	_ =	shalt  }
0x48: {  	_ =	shalt  }
0x49: {  	_ =	shalt  }
0x4a: {  	_ =	shalt  }
0x4b: {  	_ =	shalt  }
0x4c: {  	_ =	shalt  }
0x4d: {  	_ =	shalt  }
0x4e: {  	_ =	shalt  }
0x4f: {  	_ =	shalt  }
0x50: {  	_ =	shalt  }
0x51: {  	_ =	shalt  }
0x52: {  	_ =	shalt  }
0x53: {  	_ =	shalt  }
0x54: {  	_ =	shalt  }
0x55: {  	_ =	shalt  }
0x56: {  	_ =	shalt  }
0x57: {  	_ =	shalt  }
0x58: {  	_ =	shalt  }
0x59: {  	_ =	shalt  }
0x5a: {  	_ =	shalt  }
0x5b: {  	_ =	shalt  }
0x5c: {  	_ =	shalt  }
0x5d: {  	_ =	shalt  }
0x5e: {  	_ =	shalt  }
0x5f: {  	_ =	shalt  }
0x60: {  	_ =	shalt  }
0x61: {  	_ =	shalt  }
0x62: {  	_ =	shalt  }
0x63: {  	_ =	shalt  }
0x64: {  	_ =	shalt  }
0x65: {  	_ =	shalt  }
0x66: {  	_ =	shalt  }
0x67: {  	_ =	shalt  }
0x68: {  	_ =	shalt  }
0x69: {  	_ =	shalt  }
0x6a: {  	_ =	shalt  }
0x6b: {  	_ =	shalt  }
0x6c: {  	_ =	shalt  }
0x6d: {  	_ =	shalt  }
0x6e: {  	_ =	shalt  }
0x6f: {  	_ =	shalt  }
0x70: {  	_ =	shalt  }
0x71: {  	_ =	shalt  }
0x72: {  	_ =	shalt  }
0x73: {  	_ =	shalt  }
0x74: {  	_ =	shalt  }
0x75: {  	_ =	shalt  }
0x76: {  	_ =	shalt  }
0x77: {  	_ =	shalt  }
0x78: {  	_ =	shalt  }
0x79: {  	_ =	shalt  }
0x7a: {  	_ =	shalt  }
0x7b: {  	_ =	shalt  }
0x7c: {  	_ =	shalt  }
0x7d: {  	_ =	shalt  }
0x7e: {  	_ =	shalt  }
0x7f: {  	_ =	shalt  }
0x80: {  	_ =	shalt  }
0x81: {  	_ =	shalt  }
0x82: {  	_ =	shalt  }
0x83: {  	_ =	shalt  }
0x84: {  	_ =	shalt  }
0x85: {  	_ =	shalt  }
0x86: {  	_ =	shalt  }
0x87: {  	_ =	shalt  }
.Lfunc_end0:
.L_simem_size_0:
called_computation_lowered:
.L_overlay_start_0:
0x88: {  	s2 =	sld [smem:$0x3FD9]  }
0x89: {  	s3 =	sld [smem:$0x3FFE];
	_ =	sdelay $0x1  }
0x8a: {  	s1 =	srdreg.scid  }
0x8b: {  	s0 =	sand.u32 $0x1, s1  }
0x8c: {  	s17 =	sshll.u32 s0, $0xA;
	s2 =	sadd.s32 s3, s2  }
0x8d: {  	s2 =	sadd.s32 s2, s17  }
0x8e: {  	[smem:$0x3FC6] =	sst s2  }
0x8f: {  	_ = 	snop  }
0x90: {  	s2 =	sld [smem:$0x3FC9];
	(tm) =	ssettm $0x1  }
0x91: {  	s18 =	sld [smem:$0x3FFB];
	_ =	sdelay $0x3  }
0x92: {  	_ =	strace s18  }
0x93: {  	s3 =	sld [smem:$0x3FFC];
	_ =	sdelay $0x3  }
0x94: {  	_ =	strace s3  }
0x95: {  	s3 =	sld [smem:$0x3FFD];
	_ =	sdelay $0x3  }
0x96: {  	_ =	strace s3  }
0x97: {  	_ =	strace $0x8FFFFFFF  }
0x98: {  	s19 =	sld [smem:$0x3FDB];
	_ =	sdelay $0x1  }
0x99: {  	s4 =	simm.s32 $_scs_section_size  }
0x9a: {  	s5 =	simm.s32 $_size__tile_overlayer_lowered;
	s6 =	simm.s32 $_tile_overlayer_lowered  }
0x9b: {  	s22 =	simm.s32 $0x1BFF;
	s21 =	sshll.u32 s6, $0x1;
	s3 =	sadd.s32 s4, s19  }
0x9c: {  	s7 =	simm.s32 $0x0;
	s20 =	sshll.u32 s5, $0x1;
	s5 =	sadd.s32 s21, s3  }
0x9d: {  	[timem:s7], [sflag:s22] =	dma.local [hbm:s5], s20  }
0x9e: {  	_ =	swait.ge [sflag:s22], s20  }
0x9f: {  	s4 =	ssub.s32 $0x0, s20;
	[sflag:s22] =	ssyncset.done $0x0  }
0xa0: {  	[sflag:s22] =	ssyncadd.s32 s4;
	_ =	sdelay $0x1  }
0xa1: {  	s23 =	simm.s32 $0x1B8B  }
0xa2: {  	_ =	swait.ge [sflag:s23], $0x1  }
0xa3: {  	[sflag:s23] =	ssyncset.done $0x0  }
0xa4: {  	s25 =	simm.s32 $0x1B8E;
	s24 =	sld [smem:$0x3FFE];
	[sflag:s23] =	ssyncadd.s32 $0xFFFFFFFF  }
0xa5: {  	s26 =	simm.s32 $execute0_lowered;
	[smem:$0x3FD2] =	sst s25  }
0xa6: {  	s5 =	sshll.u32 s26, $0x1;
	_ =	strace $0x80000046;
	[dreg:$0x1] =	wrdreg $0xFFFFFFFF  }
0xa7: {  	s28 =	simm.s32 $_size_execute0_lowered;
	s3 =	sadd.s32 s3, s5;
	[dreg:$0x0] =	wrdreg $0x0  }
0xa8: {  	s5 =	sshll.u32 s28, $0x1;
	[dreg:$0x2] =	wrdreg s3  }
0xa9: {  	[dreg:$0x3] =	wrdreg s5  }
0xaa: {  	[dreg:$0x4] =	wrdreg $0xC0  }
0xab: {  	_ =	task [dreg:s7], $0x5FFFF  }
0xac: {  	[dreg:$0x1] =	wrdreg $0xFFFFFFFF  }
0xad: {  	[dreg:$0x0] =	wrdreg $0x60  }
0xae: {  	[dreg:$0x2] =	wrdreg s2  }
0xaf: {  	[dreg:$0x3] =	wrdreg s24  }
0xb0: {  	[dreg:$0x4] =	wrdreg $0x9  }
0xb1: {  	_ =	task.clear_ibuf [dreg:s7], $0x5FFFF;
	_ =	strace $0x90000046  }
0xb2: {  	s29 =	simm.s32 $0x9;
	_ =	strace $0x80000048  }
0xb3: {  	_ =	swait.ge [sflag:s29], $0x1  }
0xb4: {  	[sflag:s29] =	ssyncadd.s32 $0xFFFFFFFF  }
0xb5: {  	_ =	strace $0x90000048  }
0xb6: {  	_ =	sfence  }
0xb7: {  	s30 =	sld [smem:$0x0];
	_ =	sdelay $0x2  }
0xb8: {  	s31 =	sshll.u32 s1, $0xD;
	s1 =	sshrl.u32 s1, $0x2  }
0xb9: {  	s3 =	sand.u32 $0x4000, s31;
	s1 =	sadd.s32 s1, s30  }
0xba: {  	s0 =	sor.u32 s3, s0;
	s1 =	sshll.u32 s1, $0x11  }
0xbb: {  	s0 =	sor.u32 s1, s0  }
0xbc: {  	s0 =	sadd.s32 $0x8F2B, s0  }
0xbd: {  	[sflag:s0] =	ssyncadd.remote.s32 $0x1  }
0xbe: {  	_ =	sfence.sel $0xFFFF  }
0xbf: {  	[dreg:$0x0] =	wrdreg $0xFFFFFFFF;
	(pc) =	sbr.abs _section_cstart, $3  }
0xc0: {  	[dreg:$0x1] =	wrdreg $0xFFFFFFFF  }
0xc1: {  	_ =	task.clear_ibuf [dreg:s7], $0x2FFFF;
	_ =	strace $0x9FFFFFFF  }
0xc2: {  	(tm) =	ssettm $0x7FFFFFFF  }
0xc3: {  	_ =	shalt  }
tec
execute0_lowered:
.L_overlay_start_1:
0x0: {  	(tag) =	ssettag $0x1  }
0x1: {  	s3 =	rddreg [dreg:$0x0];
	s1 =	srdreg.scid  }
0x2: {  	s0 =	stileid.u32;
	s8 =	rddreg [dreg:$0x1]  }
0x3: {  	s2 =	simm.s32 $0x0;
	s7 =	sand.u32 $0x1, s1;
	s4 =	sshll.u32 s0, $0x1  }
0x4: {  	s5 =	simm.s32 $0x400;
	s1 =	rddreg [dreg:$0x2];
	s9 =	sor.u32 s7, s4  }
0x5: {  	s6 =	simm.s32 $0x1;
	[smem:$0x7FF] =	sst s2;
	s4 =	sshll.u32 s9, $0xE  }
0x6: {  	_ =	strace $0x80000047;
	s3 =	sadd.s32 s3, s4;
	s4 =	simm.s32 $0x200  }
0x7: {  	[tilespmem:s2], [sflag:$0x1] =	stream.strided.gather [hbm4b:s3+s4], $0x10000, s5, s4, $0x38;
	[tilespmem:$0x10000] =	vst v63  }
0x8: {  	_ =	swait.ge [sflag:s6], $0x10000  }
0x9: {  	s10 =	ssub.s32 $0x2, s7;
	s9 =	sshll.u32 s9, $0x4;
	[sflag:s6] =	ssyncset.done $0x0  }
0xa: {  	s11 =	sshrl.u32 s10, $0x1;
	s7 =	sadd.s32 $0x40, s3;
	[sflag:s6] =	ssyncadd.s32 $0xFFFF0000  }
0xb: {  	[tilespmem:s2], [sflag:$0x1] =	stream.strided.gather [hbm4b:s7+s4], $0x10000, s5, s4, $0x38;
	[tilespmem:$0x10000] =	vst v63  }
0xc: {  	s8 =	sadd.s32 s9, s8;
	s10 =	ssub.s32 s10, s11;
	_ =	swait.ge [sflag:s6], $0x10000  }
0xd: {  	s9 =	simm.s32 $0x80;
	s11 =	smax.u32 s10, $0x1;
	[sflag:s6] =	ssyncset.done $0x0  }
0xe: {  	s8 =	sadd.s32 $0x800, s8;
	p0 =	sne.s32 s11, $0x1;
	[sflag:s6] =	ssyncadd.s32 $0xFFFF0000  }
0xf: {  	[hbm4b:s8+s9] =	stream.strided.scatter [tilespmem:s2], [sflag:$0x2], $0x0, s5, s9, $0x38;
	[tilespmem:$0x10000] =	vst v63  }
.Ltmp0:
0x10: {  	_ = 	snop;
	(pc) =	sbr.rel @!p0 .LBB2_2-.Ltmp0, $4  }
0x11: {  	s10 =	simm.s32 $0x2  }
0x12: {  	[hbm4b:s8+s2] =	stream.linear.scatter [tilespmem:s2], [sflag:$0x2], $0x10, $0x38;
	[tilespmem:$0x10000] =	vst v63  }
0x13: {  	_ =	swait.ge [sflag:s10], $0x10  }
0x14: {  	s11 =	sadd.s32 $0xFFFFFFFF, s11;
	[sflag:s10] =	ssyncset.done $0x0  }
.LBB2_1:
0x15: {  	p0 =	sne.s32 s11, $0x1;
	s11 =	sadd.s32 $0xFFFFFFFF, s11;
	[sflag:s10] =	ssyncadd.s32 $0xFFFFFFF0  }
0x16: {  	_ = 	snop  }
0x17: {  	[tilespmem:s2], [sflag:$0x1] =	stream.strided.gather [hbm4b:s3+s4], $0x10000, s5, s4, $0x38;
	[tilespmem:$0x10000] =	vst v63  }
0x18: {  	_ =	swait.ge [sflag:s6], $0x10000  }
0x19: {  	[sflag:s6] =	ssyncset.done $0x0  }
0x1a: {  	[sflag:s6] =	ssyncadd.s32 $0xFFFF0000  }
0x1b: {  	[tilespmem:s2], [sflag:$0x1] =	stream.strided.gather [hbm4b:s7+s4], $0x10000, s5, s4, $0x38;
	[tilespmem:$0x10000] =	vst v63  }
0x1c: {  	_ =	swait.ge [sflag:s6], $0x10000  }
0x1d: {  	[sflag:s6] =	ssyncset.done $0x0  }
0x1e: {  	[sflag:s6] =	ssyncadd.s32 $0xFFFF0000  }
0x1f: {  	[hbm4b:s8+s9] =	stream.strided.scatter [tilespmem:s2], [sflag:$0x2], $0x0, s5, s9, $0x38;
	[tilespmem:$0x10000] =	vst v63  }
.Ltmp1:
0x20: {  	_ = 	snop;
	(pc) =	sbr.rel @p0 .LBB2_1-.Ltmp1, $4  }
0x21: {  	_ = 	snop  }
0x22: {  	[hbm4b:s8+s2] =	stream.linear.scatter [tilespmem:s2], [sflag:$0x2], $0x10, $0x38;
	[tilespmem:$0x10000] =	vst v63  }
0x23: {  	_ =	swait.ge [sflag:s10], $0x10  }
0x24: {  	[sflag:s10] =	ssyncset.done $0x0  }
.LBB2_2:
0x25: {  	[sflag:s10] =	ssyncadd.s32 $0xFFFFFFF0  }
0x26: {  	_ =	sfence.sel $0x180000  }
0x27: {  	[bflag:$0x0] =	sbarrier.arrive $0xFFFF  }
0x28: {  	p0 =	sne.s32 s0, $0x0;
	_ =	strace $0x90000047  }
0x29: {  	s0 =	sadd.s32 @!p0 $0x100000, s1;
	[bflag:$0x2] =	sbarrier.arrive $0xFFFF  }
0x2a: {  	[sflag:s0] =	ssyncadd.tile.s32 @!p0 $0x1;
	_ =	shalt  }
.Lfunc_end2:
_tile_overlayer_lowered:
.L_overlay_start_2:
0x2b: {  	(tag) =	ssettag $0x2  }
0x2c: {  	s0 =	rddreg [dreg:$0x0];
	s2 =	stileid.u32  }
0x2d: {  	s1 =	rddreg [dreg:$0x1];
	p0 =	sne.s32 s2, $0x0  }
0x2e: {  	s3 =	rddreg [dreg:$0x2];
	[bflag:$0x3] =	sbarrier.arrive $0xFFFF;
	s2 =	simm.s32 @!p0 $0x1C02  }
0x2f: {  	[timem:s3], [sflag:s2] =	dma.local @!p0 [hbm:s0], s1  }
0x30: {  	s0 =	simm.s32 @!p0 $0x2  }
0x31: {  	_ =	swait.ge @!p0 [sflag:s0], s1  }
0x32: {  	s1 =	ssub.s32 @!p0 $0x0, s1;
	[sflag:s0] =	ssyncset.done @!p0 $0x0  }
0x33: {  	[sflag:s0] =	ssyncadd.s32 @!p0 s1  }
0x34: {  	[bflag:$0x3] =	sbarrier.arrive $0xFFFF  }
0x35: {  	_ =	shalt  }

</sc_bundles>
